<compile_context>
chip_gen: v7x
topology: tpu7x:2x2x1
jax: 0.10.2.dev20260603
libtpu: 0.0.44.dev20260713+nightly
codegen_flags: <defaults>
</compile_context>

<pallas_src>
import functools

import jax
import jax.numpy as jnp
from jax import lax
from jax.experimental import pallas as pl
from jax.experimental.pallas import tpu as pltpu
from jax.experimental.pallas import tpu_sc as plsc

N = 10000
E = 320000
D = 128
P = 5000

NC = 2
NS = 16
NW = NC * NS
CHUNK = 128
EPW = -(-E // NW)
NCHUNK = -(-EPW // CHUNK)
EPW_PAD = NCHUNK * CHUNK
E_PAD = EPW_PAD * NW
HALF = 40
TRASH = 10240 + 128 - 16
NROWS = 10240
RPT = NROWS // NS
HI = NROWS // 128
BE = 3200
NSTEP = E // BE

_mesh = plsc.VectorSubcoreMesh(core_axis_name="c", subcore_axis_name="s")


@functools.partial(
    pl.kernel,
    out_type=[
        jax.ShapeDtypeStruct((NROWS, D), jnp.float32),
        jax.ShapeDtypeStruct((NROWS, D), jnp.float32),
    ],
    mesh=_mesh,
    scratch_types=[
        pltpu.VMEM_SHARED((NROWS, D), jnp.float32),
        pltpu.VMEM((NCHUNK, CHUNK), jnp.int32),
        pltpu.VMEM((NCHUNK, CHUNK), jnp.int32),
        pltpu.VMEM((CHUNK, D), jnp.float32),
        pltpu.SemaphoreType.DMA,
    ],
)
def _edge_kernel(src_hbm, dst_hbm, h2_hbm, zeros_hbm, out0, out1,
                 acc_sh, src_v, dst_v, rows_v, sem):
    cid = lax.axis_index("c")
    sid = lax.axis_index("s")
    wid = cid * NS + sid
    pltpu.sync_copy(zeros_hbm.at[pl.ds(sid * RPT, RPT)],
                    acc_sh.at[pl.ds(sid * RPT, RPT)])
    pltpu.sync_copy(src_hbm.at[wid], src_v)
    pltpu.sync_copy(dst_hbm.at[wid], dst_v)
    plsc.subcore_barrier()

    def body(j):
        pltpu.async_copy(h2_hbm.at[src_v.at[j]], rows_v, sem).wait()
        pltpu.sync_copy(rows_v, acc_sh.at[dst_v.at[j]], add=True)

    pl.loop(0, NCHUNK)(body)
    plsc.subcore_barrier()

    @pl.when(cid == 0)
    def _():
        pltpu.sync_copy(acc_sh.at[pl.ds(sid * RPT, RPT)],
                        out0.at[pl.ds(sid * RPT, RPT)])

    @pl.when(cid == 1)
    def _():
        pltpu.sync_copy(acc_sh.at[pl.ds(sid * RPT, RPT)],
                        out1.at[pl.ds(sid * RPT, RPT)])


def _hist_body(dst_ref, c_ref):
    step = pl.program_id(0)
    d = dst_ref[0, 0, :]
    hi = (d >> 7)[:, None]
    lo = (d & 127)[:, None]
    oh = (hi == lax.broadcasted_iota(jnp.int32, (BE, HI), 1)).astype(jnp.bfloat16)
    ol = (lo == lax.broadcasted_iota(jnp.int32, (BE, 128), 1)).astype(jnp.bfloat16)
    c = lax.dot_general(oh, ol, (((0,), (0,)), ((), ())),
                        preferred_element_type=jnp.float32)

    @pl.when(step == 0)
    def _():
        c_ref[...] = c

    @pl.when(step != 0)
    def _():
        c_ref[...] += c


def _prep_body(x_ref, w_ref, c_ref, h2_ref):
    deg = c_ref[0].reshape(_BM) + 1.0
    dinv = lax.rsqrt(deg)
    h = jnp.dot(x_ref[...], w_ref[...], preferred_element_type=jnp.float32)
    h2_ref[...] = h * dinv[:, None]


def _final_body(h2_ref, a0_ref, a1_ref, c_ref, b_ref, o_ref):
    deg = c_ref[0].reshape(_BM) + 1.0
    dinv = lax.rsqrt(deg)
    s = a0_ref[...] + a1_ref[...] + h2_ref[...]
    o_ref[...] = jnp.maximum(s * dinv[:, None] + b_ref[...], 0.0)


_BM = 512
_BMC = _BM // 128


def kernel(x_skip, e_skip, indices, x, W, b):
    del x_skip, indices
    src = e_skip[0].astype(jnp.int32)
    dst = e_skip[1].astype(jnp.int32)
    pad = N + (jnp.arange(E_PAD - E, dtype=jnp.int32) % (NROWS - N))
    srcp = jnp.concatenate([src, pad]).reshape(NW, NCHUNK, CHUNK)
    dstp = jnp.concatenate([dst, pad]).reshape(NW, NCHUNK, CHUNK)
    zerosD = jnp.zeros((NROWS, D), jnp.float32)
    x_pad = jnp.concatenate(
        [x.astype(jnp.float32), jnp.zeros((NROWS - P, D), jnp.float32)])

    c_deg = pl.pallas_call(
        _hist_body,
        grid=(NSTEP,),
        in_specs=[pl.BlockSpec((1, 1, BE), lambda i: (i, 0, 0))],
        out_specs=pl.BlockSpec((HI, 128), lambda i: (0, 0)),
        out_shape=jax.ShapeDtypeStruct((HI, 128), jnp.float32),
    )(dst.reshape(NSTEP, 1, BE))
    c3 = c_deg.reshape(NROWS // _BM, _BMC, 128)

    h2 = pl.pallas_call(
        _prep_body,
        grid=(NROWS // _BM,),
        in_specs=[
            pl.BlockSpec((_BM, D), lambda i: (i, 0)),
            pl.BlockSpec((D, D), lambda i: (0, 0)),
            pl.BlockSpec((1, _BMC, 128), lambda i: (i, 0, 0)),
        ],
        out_specs=pl.BlockSpec((_BM, D), lambda i: (i, 0)),
        out_shape=jax.ShapeDtypeStruct((NROWS, D), jnp.float32),
    )(x_pad, W.astype(jnp.float32), c3)

    acc0, acc1 = _edge_kernel(srcp, dstp, h2, zerosD)

    out_pad = pl.pallas_call(
        _final_body,
        grid=(NROWS // _BM,),
        in_specs=[
            pl.BlockSpec((_BM, D), lambda i: (i, 0)),
            pl.BlockSpec((_BM, D), lambda i: (i, 0)),
            pl.BlockSpec((_BM, D), lambda i: (i, 0)),
            pl.BlockSpec((1, _BMC, 128), lambda i: (i, 0, 0)),
            pl.BlockSpec((1, D), lambda i: (0, 0)),
        ],
        out_specs=pl.BlockSpec((_BM, D), lambda i: (i, 0)),
        out_shape=jax.ShapeDtypeStruct((NROWS, D), jnp.float32),
    )(h2, acc0, acc1, c3, b.reshape(1, D).astype(jnp.float32))

    return (out_pad[:N], e_skip)

# --- scband reference (transcript-rebuilt; emitter-appended) ---
"""Pipeline reference for scband-graph-conv-unpool-55834574848182 (READ-ONLY COPY).

The authoritative reference and input builder live on the scoring server;
editing this copy changes nothing except your own understanding.
"""

import jax, jax.numpy as jnp
import numpy as np

N = 10000
E = 320000
D = 128
P = 5000


def setup_inputs(seed: int = 0) -> dict:
    key = jax.random.key(seed)
    k1, k2, k3, k4 = jax.random.split(key, 4)
    x_skip = jax.random.normal(k1, (N, D), dtype=jnp.float32)
    e_skip = jax.random.randint(k2, (2, E), 0, N)
    indices = jnp.arange(P)
    x = jax.random.normal(k3, (P, D), dtype=jnp.float32)
    W = jax.random.normal(k4, (D, D), dtype=jnp.float32) / np.sqrt(D)
    b = jnp.zeros((D,), dtype=jnp.float32)
    return {"x_skip": x_skip, "e_skip": e_skip, "indices": indices, "x": x, "W": W, "b": b}


def gcn_conv(x, edge_index, W, b):
    # GCNConv: symmetric-normalized adjacency with added self-loops
    n = x.shape[0]
    loop = jnp.arange(n)
    src = jnp.concatenate([edge_index[0], loop])
    dst = jnp.concatenate([edge_index[1], loop])
    deg = jnp.zeros((n,), x.dtype).at[dst].add(1.0)
    dinv = jnp.where(deg > 0, deg ** -0.5, 0.0)
    norm = dinv[src] * dinv[dst]
    h = x @ W
    msg = h[src] * norm[:, None]
    out = jnp.zeros_like(h).at[dst].add(msg)
    return out + b


def reference(x_skip, e_skip, indices, x, W, b):
    # unpooled_x = zeros_like(x_skip); unpooled_x[indices] = x
    unpooled = jnp.zeros(x_skip.shape, x_skip.dtype).at[indices].set(x)
    out = gcn_conv(unpooled, e_skip, W, b)
    return (jax.nn.relu(out), e_skip)

if __name__ == "__main__":
    import jax
    _d = setup_inputs()
    print(jax.jit(kernel)(*tuple(_d.values())))

</pallas_src>

<mosaic_0001>
#map = affine_map<(d0, d1) -> (0, 0, 0)>
#map1 = affine_map<(d0, d1) -> (0, 0)>
module attributes {stable_mosaic.version = 14 : i64} {
  func.func @_edge_kernel(%arg0: i32, %arg1: i32, %arg2: memref<32x79x128xi32, #tpu.memory_space<hbm>>, %arg3: memref<32x79x128xi32, #tpu.memory_space<hbm>>, %arg4: memref<10240x128xf32, #tpu.memory_space<hbm>>, %arg5: memref<10240x128xf32, #tpu.memory_space<hbm>>, %arg6: memref<10240x128xf32, #tpu.memory_space<hbm>>, %arg7: memref<10240x128xf32, #tpu.memory_space<hbm>>, %arg8: memref<10240x128xf32, #tpu.memory_space<vmem_shared>>, %arg9: memref<79x128xi32, #tpu.memory_space<vmem>>, %arg10: memref<79x128xi32, #tpu.memory_space<vmem>>, %arg11: memref<128x128xf32, #tpu.memory_space<vmem>>, %arg12: memref<!tpu.dma_semaphore, #tpu.memory_space<semaphore_mem>>) attributes {dimension_semantics = [#tpu.dimension_semantics<core_parallel>, #tpu.dimension_semantics<subcore_parallel>], iteration_bounds = array<i64: 2, 16>, scalar_prefetch = 0 : i64, scratch_operands = 5 : i64, tpu.core_type = #tpu.core_type<sc_vector_subcore>, window_params = [{transform_indices = #map}, {transform_indices = #map}, {transform_indices = #map1}, {transform_indices = #map1}, {transform_indices = #map1}, {transform_indices = #map1}]} {
    %mul3A = arith.constant 16 : i32
    %mul3A_0 = arith.muli %arg0, %mul3A : i32
    %add3A = arith.addi %mul3A_0, %arg1 : i32
    %mul3A_1 = arith.constant 640 : i32
    %mul3A_2 = arith.muli %arg1, %mul3A_1 : i32
    %mul3A_3 = arith.constant 640 : i32
    %mul3A_4 = arith.muli %arg1, %mul3A_3 : i32
    "tpu.region"() ({
      %run_scoped3A = tpu.sem_alloc : memref<!tpu.dma_semaphore, #tpu.memory_space<semaphore_mem>>
      %dma_start3A = arith.constant 0 : i32
      %dma_start3A_17 = tpu.memref_slice %arg8[%mul3A_4, %dma_start3A] : memref<10240x128xf32, #tpu.memory_space<vmem_shared>> -> memref<640x128xf32, #tpu.memory_space<vmem_shared>>
      %dma_start3A_18 = arith.constant 0 : i32
      %dma_start3A_19 = tpu.memref_slice %arg5[%mul3A_2, %dma_start3A_18] : memref<10240x128xf32, #tpu.memory_space<hbm>> -> memref<640x128xf32, #tpu.memory_space<hbm>>
      tpu.enqueue_dma source(%dma_start3A_19 : memref<640x128xf32, #tpu.memory_space<hbm>>) target(%dma_start3A_17 : memref<640x128xf32, #tpu.memory_space<vmem_shared>>) target_semaphore(%run_scoped3A : memref<!tpu.dma_semaphore, #tpu.memory_space<semaphore_mem>>)
      %dma_wait3A = arith.constant 0 : i32
      %dma_wait3A_20 = tpu.memref_slice %arg8[%mul3A_4, %dma_wait3A] : memref<10240x128xf32, #tpu.memory_space<vmem_shared>> -> memref<640x128xf32, #tpu.memory_space<vmem_shared>>
      %dma_wait3A_21 = arith.constant 0 : i32
      %dma_wait3A_22 = tpu.memref_slice %arg5[%mul3A_2, %dma_wait3A_21] : memref<10240x128xf32, #tpu.memory_space<hbm>> -> memref<640x128xf32, #tpu.memory_space<hbm>>
      tpu.wait_dma2 semaphore(%run_scoped3A : memref<!tpu.dma_semaphore, #tpu.memory_space<semaphore_mem>>) src(%dma_wait3A_22 : memref<640x128xf32, #tpu.memory_space<hbm>>) dst(%dma_wait3A_20 : memref<640x128xf32, #tpu.memory_space<vmem_shared>>)
      tpu.yield
    }) : () -> ()
    "tpu.region"() ({
      %run_scoped3A = tpu.sem_alloc : memref<!tpu.dma_semaphore, #tpu.memory_space<semaphore_mem>>
      %dma_start3A = arith.constant 0 : i32
      %dma_start3A_17 = arith.constant 0 : i32
      %dma_start3A_18 = tpu.memref_slice %arg2[%add3A, %dma_start3A, %dma_start3A_17] : memref<32x79x128xi32, #tpu.memory_space<hbm>> -> memref<1x79x128xi32, #tpu.memory_space<hbm>>
      %dma_start3A_19 = tpu.memref_squeeze %dma_start3A_18 : memref<1x79x128xi32, #tpu.memory_space<hbm>> -> memref<79x128xi32, #tpu.memory_space<hbm>>
      %dma_start3A_20 = arith.constant 0 : i32
      %dma_start3A_21 = arith.constant 0 : i32
      %dma_start3A_22 = tpu.memref_slice %arg2[%add3A, %dma_start3A_20, %dma_start3A_21] : memref<32x79x128xi32, #tpu.memory_space<hbm>> -> memref<1x79x128xi32, #tpu.memory_space<hbm>>
      %dma_start3A_23 = tpu.memref_squeeze %dma_start3A_22 : memref<1x79x128xi32, #tpu.memory_space<hbm>> -> memref<79x128xi32, #tpu.memory_space<hbm>>
      tpu.enqueue_dma source(%dma_start3A_23 : memref<79x128xi32, #tpu.memory_space<hbm>>) target(%arg9 : memref<79x128xi32, #tpu.memory_space<vmem>>) target_semaphore(%run_scoped3A : memref<!tpu.dma_semaphore, #tpu.memory_space<semaphore_mem>>)
      %dma_wait3A = arith.constant 0 : i32
      %dma_wait3A_24 = arith.constant 0 : i32
      %dma_wait3A_25 = tpu.memref_slice %arg2[%add3A, %dma_wait3A, %dma_wait3A_24] : memref<32x79x128xi32, #tpu.memory_space<hbm>> -> memref<1x79x128xi32, #tpu.memory_space<hbm>>
      %dma_wait3A_26 = tpu.memref_squeeze %dma_wait3A_25 : memref<1x79x128xi32, #tpu.memory_space<hbm>> -> memref<79x128xi32, #tpu.memory_space<hbm>>
      %dma_wait3A_27 = arith.constant 0 : i32
      %dma_wait3A_28 = arith.constant 0 : i32
      %dma_wait3A_29 = tpu.memref_slice %arg2[%add3A, %dma_wait3A_27, %dma_wait3A_28] : memref<32x79x128xi32, #tpu.memory_space<hbm>> -> memref<1x79x128xi32, #tpu.memory_space<hbm>>
      %dma_wait3A_30 = tpu.memref_squeeze %dma_wait3A_29 : memref<1x79x128xi32, #tpu.memory_space<hbm>> -> memref<79x128xi32, #tpu.memory_space<hbm>>
      tpu.wait_dma2 semaphore(%run_scoped3A : memref<!tpu.dma_semaphore, #tpu.memory_space<semaphore_mem>>) src(%dma_wait3A_30 : memref<79x128xi32, #tpu.memory_space<hbm>>) dst(%arg9 : memref<79x128xi32, #tpu.memory_space<vmem>>)
      tpu.yield
    }) : () -> ()
    "tpu.region"() ({
      %run_scoped3A = tpu.sem_alloc : memref<!tpu.dma_semaphore, #tpu.memory_space<semaphore_mem>>
      %dma_start3A = arith.constant 0 : i32
      %dma_start3A_17 = arith.constant 0 : i32
      %dma_start3A_18 = tpu.memref_slice %arg3[%add3A, %dma_start3A, %dma_start3A_17] : memref<32x79x128xi32, #tpu.memory_space<hbm>> -> memref<1x79x128xi32, #tpu.memory_space<hbm>>
      %dma_start3A_19 = tpu.memref_squeeze %dma_start3A_18 : memref<1x79x128xi32, #tpu.memory_space<hbm>> -> memref<79x128xi32, #tpu.memory_space<hbm>>
      %dma_start3A_20 = arith.constant 0 : i32
      %dma_start3A_21 = arith.constant 0 : i32
      %dma_start3A_22 = tpu.memref_slice %arg3[%add3A, %dma_start3A_20, %dma_start3A_21] : memref<32x79x128xi32, #tpu.memory_space<hbm>> -> memref<1x79x128xi32, #tpu.memory_space<hbm>>
      %dma_start3A_23 = tpu.memref_squeeze %dma_start3A_22 : memref<1x79x128xi32, #tpu.memory_space<hbm>> -> memref<79x128xi32, #tpu.memory_space<hbm>>
      tpu.enqueue_dma source(%dma_start3A_23 : memref<79x128xi32, #tpu.memory_space<hbm>>) target(%arg10 : memref<79x128xi32, #tpu.memory_space<vmem>>) target_semaphore(%run_scoped3A : memref<!tpu.dma_semaphore, #tpu.memory_space<semaphore_mem>>)
      %dma_wait3A = arith.constant 0 : i32
      %dma_wait3A_24 = arith.constant 0 : i32
      %dma_wait3A_25 = tpu.memref_slice %arg3[%add3A, %dma_wait3A, %dma_wait3A_24] : memref<32x79x128xi32, #tpu.memory_space<hbm>> -> memref<1x79x128xi32, #tpu.memory_space<hbm>>
      %dma_wait3A_26 = tpu.memref_squeeze %dma_wait3A_25 : memref<1x79x128xi32, #tpu.memory_space<hbm>> -> memref<79x128xi32, #tpu.memory_space<hbm>>
      %dma_wait3A_27 = arith.constant 0 : i32
      %dma_wait3A_28 = arith.constant 0 : i32
      %dma_wait3A_29 = tpu.memref_slice %arg3[%add3A, %dma_wait3A_27, %dma_wait3A_28] : memref<32x79x128xi32, #tpu.memory_space<hbm>> -> memref<1x79x128xi32, #tpu.memory_space<hbm>>
      %dma_wait3A_30 = tpu.memref_squeeze %dma_wait3A_29 : memref<1x79x128xi32, #tpu.memory_space<hbm>> -> memref<79x128xi32, #tpu.memory_space<hbm>>
      tpu.wait_dma2 semaphore(%run_scoped3A : memref<!tpu.dma_semaphore, #tpu.memory_space<semaphore_mem>>) src(%dma_wait3A_30 : memref<79x128xi32, #tpu.memory_space<hbm>>) dst(%arg10 : memref<79x128xi32, #tpu.memory_space<vmem>>)
      tpu.yield
    }) : () -> ()
    %barrier3A = arith.constant 0 : index
    tpu.barrier barrier_id(%barrier3A)
    %scan3A = arith.constant 0 : i32
    %scan3A_5 = arith.constant 79 : i32
    %scan3A_6 = arith.addi %scan3A, %scan3A_5 : i32
    %scan3A_7 = arith.constant 1 : i32
    scf.for %scan3A_17 = %scan3A to %scan3A_6 step %scan3A_7  : i32 {
      %mul3A_18 = arith.constant 1 : i32
      %mul3A_19 = arith.muli %scan3A_17, %mul3A_18 : i32
      %add3A_20 = arith.constant 0 : i32
      %add3A_21 = arith.addi %add3A_20, %mul3A_19 : i32
      %dma_start3A = arith.constant 0 : i32
      %dma_start3A_22 = tpu.memref_slice %arg9[%add3A_21, %dma_start3A] : memref<79x128xi32, #tpu.memory_space<vmem>> -> memref<1x128xi32, #tpu.memory_space<vmem>>
      %dma_start3A_23 = tpu.memref_squeeze %dma_start3A_22 : memref<1x128xi32, #tpu.memory_space<vmem>> -> memref<128xi32, #tpu.memory_space<vmem>>
      %dma_start3A_24 = arith.constant 0 : i32
      %dma_start3A_25 = arith.constant 0 : i32
      %dma_start3A_26 = tpu.memref_slice %arg4[%dma_start3A_24, %dma_start3A_25] : memref<10240x128xf32, #tpu.memory_space<hbm>> -> memref<10240x128xf32, #tpu.memory_space<hbm>>
      tpu.enqueue_indirect_dma source(%dma_start3A_26 : memref<10240x128xf32, #tpu.memory_space<hbm>>) target(%arg11 : memref<128x128xf32, #tpu.memory_space<vmem>>) offsets(%dma_start3A_23 : memref<128xi32, #tpu.memory_space<vmem>>) semaphore(%arg12 : memref<!tpu.dma_semaphore, #tpu.memory_space<semaphore_mem>>)
      %dma_wait3A = arith.constant 0 : i32
      %dma_wait3A_27 = tpu.memref_slice %arg9[%add3A_21, %dma_wait3A] : memref<79x128xi32, #tpu.memory_space<vmem>> -> memref<1x128xi32, #tpu.memory_space<vmem>>
      %dma_wait3A_28 = tpu.memref_squeeze %dma_wait3A_27 : memref<1x128xi32, #tpu.memory_space<vmem>> -> memref<128xi32, #tpu.memory_space<vmem>>
      %dma_wait3A_29 = arith.constant 0 : i32
      %dma_wait3A_30 = arith.constant 0 : i32
      %dma_wait3A_31 = tpu.memref_slice %arg4[%dma_wait3A_29, %dma_wait3A_30] : memref<10240x128xf32, #tpu.memory_space<hbm>> -> memref<10240x128xf32, #tpu.memory_space<hbm>>
      tpu.wait_indirect_dma semaphore(%arg12 : memref<!tpu.dma_semaphore, #tpu.memory_space<semaphore_mem>>) src(%dma_wait3A_31 : memref<10240x128xf32, #tpu.memory_space<hbm>>) dst(%arg11 : memref<128x128xf32, #tpu.memory_space<vmem>>)
      "tpu.region"() ({
        %run_scoped3A = tpu.sem_alloc : memref<!tpu.dma_semaphore, #tpu.memory_space<semaphore_mem>>
        %dma_start3A_32 = arith.constant 0 : i32
        %dma_start3A_33 = tpu.memref_slice %arg10[%add3A_21, %dma_start3A_32] : memref<79x128xi32, #tpu.memory_space<vmem>> -> memref<1x128xi32, #tpu.memory_space<vmem>>
        %dma_start3A_34 = tpu.memref_squeeze %dma_start3A_33 : memref<1x128xi32, #tpu.memory_space<vmem>> -> memref<128xi32, #tpu.memory_space<vmem>>
        %dma_start3A_35 = arith.constant 0 : i32
        %dma_start3A_36 = arith.constant 0 : i32
        %dma_start3A_37 = tpu.memref_slice %arg8[%dma_start3A_35, %dma_start3A_36] : memref<10240x128xf32, #tpu.memory_space<vmem_shared>> -> memref<10240x128xf32, #tpu.memory_space<vmem_shared>>
        tpu.enqueue_indirect_dma source(%arg11 : memref<128x128xf32, #tpu.memory_space<vmem>>) target(%dma_start3A_37 : memref<10240x128xf32, #tpu.memory_space<vmem_shared>>) offsets(%dma_start3A_34 : memref<128xi32, #tpu.memory_space<vmem>>) semaphore(%run_scoped3A : memref<!tpu.dma_semaphore, #tpu.memory_space<semaphore_mem>>) {add = true}
        %dma_wait3A_38 = arith.constant 0 : i32
        %dma_wait3A_39 = tpu.memref_slice %arg10[%add3A_21, %dma_wait3A_38] : memref<79x128xi32, #tpu.memory_space<vmem>> -> memref<1x128xi32, #tpu.memory_space<vmem>>
        %dma_wait3A_40 = tpu.memref_squeeze %dma_wait3A_39 : memref<1x128xi32, #tpu.memory_space<vmem>> -> memref<128xi32, #tpu.memory_space<vmem>>
        %dma_wait3A_41 = arith.constant 0 : i32
        %dma_wait3A_42 = arith.constant 0 : i32
        %dma_wait3A_43 = tpu.memref_slice %arg8[%dma_wait3A_41, %dma_wait3A_42] : memref<10240x128xf32, #tpu.memory_space<vmem_shared>> -> memref<10240x128xf32, #tpu.memory_space<vmem_shared>>
        tpu.wait_indirect_dma semaphore(%run_scoped3A : memref<!tpu.dma_semaphore, #tpu.memory_space<semaphore_mem>>) src(%arg11 : memref<128x128xf32, #tpu.memory_space<vmem>>) dst(%dma_wait3A_43 : memref<10240x128xf32, #tpu.memory_space<vmem_shared>>)
        tpu.yield
      }) : () -> ()
    }
    %scan3A_8 = arith.constant 79 : i32
    %barrier3A_9 = arith.constant 0 : index
    tpu.barrier barrier_id(%barrier3A_9)
    %eq3A = arith.constant 0 : i32
    %eq3A_10 = arith.cmpi eq, %arg0, %eq3A : i32
    %convert_element_type3A = arith.extui %eq3A_10 : i1 to i32
    %cond3A = arith.constant 0 : i32
    %cond3A_11 = arith.cmpi ne, %convert_element_type3A, %cond3A : i32
    scf.if %cond3A_11 {
      %mul3A_17 = arith.constant 640 : i32
      %mul3A_18 = arith.muli %arg1, %mul3A_17 : i32
      %mul3A_19 = arith.constant 640 : i32
      %mul3A_20 = arith.muli %arg1, %mul3A_19 : i32
      "tpu.region"() ({
        %run_scoped3A = tpu.sem_alloc : memref<!tpu.dma_semaphore, #tpu.memory_space<semaphore_mem>>
        %dma_start3A = arith.constant 0 : i32
        %dma_start3A_21 = tpu.memref_slice %arg6[%mul3A_20, %dma_start3A] : memref<10240x128xf32, #tpu.memory_space<hbm>> -> memref<640x128xf32, #tpu.memory_space<hbm>>
        %dma_start3A_22 = arith.constant 0 : i32
        %dma_start3A_23 = tpu.memref_slice %arg8[%mul3A_18, %dma_start3A_22] : memref<10240x128xf32, #tpu.memory_space<vmem_shared>> -> memref<640x128xf32, #tpu.memory_space<vmem_shared>>
        tpu.enqueue_dma source(%dma_start3A_23 : memref<640x128xf32, #tpu.memory_space<vmem_shared>>) target(%dma_start3A_21 : memref<640x128xf32, #tpu.memory_space<hbm>>) target_semaphore(%run_scoped3A : memref<!tpu.dma_semaphore, #tpu.memory_space<semaphore_mem>>)
        %dma_wait3A = arith.constant 0 : i32
        %dma_wait3A_24 = tpu.memref_slice %arg6[%mul3A_20, %dma_wait3A] : memref<10240x128xf32, #tpu.memory_space<hbm>> -> memref<640x128xf32, #tpu.memory_space<hbm>>
        %dma_wait3A_25 = arith.constant 0 : i32
        %dma_wait3A_26 = tpu.memref_slice %arg8[%mul3A_18, %dma_wait3A_25] : memref<10240x128xf32, #tpu.memory_space<vmem_shared>> -> memref<640x128xf32, #tpu.memory_space<vmem_shared>>
        tpu.wait_dma2 semaphore(%run_scoped3A : memref<!tpu.dma_semaphore, #tpu.memory_space<semaphore_mem>>) src(%dma_wait3A_26 : memref<640x128xf32, #tpu.memory_space<vmem_shared>>) dst(%dma_wait3A_24 : memref<640x128xf32, #tpu.memory_space<hbm>>)
        tpu.yield
      }) : () -> ()
    } else {
    }
    %eq3A_12 = arith.constant 1 : i32
    %eq3A_13 = arith.cmpi eq, %arg0, %eq3A_12 : i32
    %convert_element_type3A_14 = arith.extui %eq3A_13 : i1 to i32
    %cond3A_15 = arith.constant 0 : i32
    %cond3A_16 = arith.cmpi ne, %convert_element_type3A_14, %cond3A_15 : i32
    scf.if %cond3A_16 {
      %mul3A_17 = arith.constant 640 : i32
      %mul3A_18 = arith.muli %arg1, %mul3A_17 : i32
      %mul3A_19 = arith.constant 640 : i32
      %mul3A_20 = arith.muli %arg1, %mul3A_19 : i32
      "tpu.region"() ({
        %run_scoped3A = tpu.sem_alloc : memref<!tpu.dma_semaphore, #tpu.memory_space<semaphore_mem>>
        %dma_start3A = arith.constant 0 : i32
        %dma_start3A_21 = tpu.memref_slice %arg7[%mul3A_20, %dma_start3A] : memref<10240x128xf32, #tpu.memory_space<hbm>> -> memref<640x128xf32, #tpu.memory_space<hbm>>
        %dma_start3A_22 = arith.constant 0 : i32
        %dma_start3A_23 = tpu.memref_slice %arg8[%mul3A_18, %dma_start3A_22] : memref<10240x128xf32, #tpu.memory_space<vmem_shared>> -> memref<640x128xf32, #tpu.memory_space<vmem_shared>>
        tpu.enqueue_dma source(%dma_start3A_23 : memref<640x128xf32, #tpu.memory_space<vmem_shared>>) target(%dma_start3A_21 : memref<640x128xf32, #tpu.memory_space<hbm>>) target_semaphore(%run_scoped3A : memref<!tpu.dma_semaphore, #tpu.memory_space<semaphore_mem>>)
        %dma_wait3A = arith.constant 0 : i32
        %dma_wait3A_24 = tpu.memref_slice %arg7[%mul3A_20, %dma_wait3A] : memref<10240x128xf32, #tpu.memory_space<hbm>> -> memref<640x128xf32, #tpu.memory_space<hbm>>
        %dma_wait3A_25 = arith.constant 0 : i32
        %dma_wait3A_26 = tpu.memref_slice %arg8[%mul3A_18, %dma_wait3A_25] : memref<10240x128xf32, #tpu.memory_space<vmem_shared>> -> memref<640x128xf32, #tpu.memory_space<vmem_shared>>
        tpu.wait_dma2 semaphore(%run_scoped3A : memref<!tpu.dma_semaphore, #tpu.memory_space<semaphore_mem>>) src(%dma_wait3A_26 : memref<640x128xf32, #tpu.memory_space<vmem_shared>>) dst(%dma_wait3A_24 : memref<640x128xf32, #tpu.memory_space<hbm>>)
        tpu.yield
      }) : () -> ()
    } else {
    }
    return
  }
}

module attributes {stable_mosaic.version = 14 : i64} {
  func.func @_hist_body(%arg0: i32, %arg1: memref<1x1x3200xi32, #tpu.memory_space<vmem>>, %arg2: memref<80x128xf32, #tpu.memory_space<vmem>>) attributes {dimension_semantics = [#tpu.dimension_semantics<arbitrary>], iteration_bounds = array<i64: 100>, scalar_prefetch = 0 : i64, scratch_operands = 0 : i64, tpu.core_type = #tpu.core_type<tc>, window_params = [{transform_indices = @transform_0, window_bounds = array<i64: 1, 1, 3200>}, {pipeline_mode = #tpu.pipeline_mode<synchronous>, transform_indices = @transform_1, window_bounds = array<i64: 80, 128>}]} {
    %get3A = arith.constant 0 : index
    %get3A_0 = arith.constant 0 : index
    %get3A_1 = arith.constant 0 : index
    %get3A_2 = vector.load %arg1[%get3A, %get3A_0, %get3A_1] : memref<1x1x3200xi32, #tpu.memory_space<vmem>>, vector<1x1x3200xi32>
    %get3A_3 = vector.shape_cast %get3A_2 : vector<1x1x3200xi32> to vector<3200xi32>
    %shift_right_arithmetic3A = arith.constant 7 : i32
    %shift_right_arithmetic3A_4 = vector.broadcast %shift_right_arithmetic3A : i32 to vector<3200xi32>
    %shift_right_arithmetic3A_5 = arith.shrsi %get3A_3, %shift_right_arithmetic3A_4 : vector<3200xi32>
    %broadcast_in_dim3A = vector.shape_cast %shift_right_arithmetic3A_5 : vector<3200xi32> to vector<3200x1xi32>
    %and3A = arith.constant 127 : i32
    %and3A_6 = vector.broadcast %and3A : i32 to vector<3200xi32>
    %and3A_7 = arith.andi %get3A_3, %and3A_6 : vector<3200xi32>
    %broadcast_in_dim3A_8 = vector.shape_cast %and3A_7 : vector<3200xi32> to vector<3200x1xi32>
    %iota3A = tpu.iota {dimensions = array<i32: 1>} : vector<3200x80xi32>
    %eq3A = vector.broadcast %broadcast_in_dim3A : vector<3200x1xi32> to vector<3200x80xi32>
    %eq3A_9 = arith.cmpi eq, %eq3A, %iota3A : vector<3200x80xi32>
    %convert_element_type3A = arith.extui %eq3A_9 : vector<3200x80xi1> to vector<3200x80xi32>
    %convert_element_type3A_10 = arith.sitofp %convert_element_type3A : vector<3200x80xi32> to vector<3200x80xf32>
    %convert_element_type3A_11 = arith.truncf %convert_element_type3A_10 : vector<3200x80xf32> to vector<3200x80xbf16>
    %iota3A_12 = tpu.iota {dimensions = array<i32: 1>} : vector<3200x128xi32>
    %eq3A_13 = vector.broadcast %broadcast_in_dim3A_8 : vector<3200x1xi32> to vector<3200x128xi32>
    %eq3A_14 = arith.cmpi eq, %eq3A_13, %iota3A_12 : vector<3200x128xi32>
    %convert_element_type3A_15 = arith.extui %eq3A_14 : vector<3200x128xi1> to vector<3200x128xi32>
    %convert_element_type3A_16 = arith.sitofp %convert_element_type3A_15 : vector<3200x128xi32> to vector<3200x128xf32>
    %convert_element_type3A_17 = arith.truncf %convert_element_type3A_16 : vector<3200x128xf32> to vector<3200x128xbf16>
    %dot_general3A = arith.constant dense<0.000000e+00> : vector<80x128xf32>
    %dot_general3A_18 = tpu.matmul %convert_element_type3A_11, %convert_element_type3A_17, %dot_general3A {dimension_numbers = #tpu.dot_dimension_numbers<[0], [0], [1], [1], [0, 1, 1, 1], [], []>, transpose_lhs_hint = false} : vector<3200x80xbf16>, vector<3200x128xbf16>, vector<80x128xf32> -> vector<80x128xf32>
    %eq3A_19 = arith.constant 0 : i32
    %eq3A_20 = arith.cmpi eq, %arg0, %eq3A_19 : i32
    %convert_element_type3A_21 = arith.extui %eq3A_20 : i1 to i32
    %cond3A = arith.constant 0 : i32
    %cond3A_22 = arith.cmpi ne, %convert_element_type3A_21, %cond3A : i32
    scf.if %cond3A_22 {
      %swap3A = arith.constant 0 : index
      %swap3A_27 = arith.constant 0 : index
      %swap3A_28 = vector.load %arg2[%swap3A, %swap3A_27] : memref<80x128xf32, #tpu.memory_space<vmem>>, vector<80x128xf32>
      tpu.vector_store %arg2[%swap3A, %swap3A_27], %dot_general3A_18 {strides = array<i32>} : memref<80x128xf32, #tpu.memory_space<vmem>>, vector<80x128xf32>,
    } else {
    }
    %ne3A = arith.constant 0 : i32
    %ne3A_23 = arith.cmpi ne, %arg0, %ne3A : i32
    %convert_element_type3A_24 = arith.extui %ne3A_23 : i1 to i32
    %cond3A_25 = arith.constant 0 : i32
    %cond3A_26 = arith.cmpi ne, %convert_element_type3A_24, %cond3A_25 : i32
    scf.if %cond3A_26 {
      %get3A_27 = arith.constant 0 : index
      %get3A_28 = arith.constant 0 : index
      %get3A_29 = vector.load %arg2[%get3A_27, %get3A_28] : memref<80x128xf32, #tpu.memory_space<vmem>>, vector<80x128xf32>
      %add3A = arith.addf %get3A_29, %dot_general3A_18 : vector<80x128xf32>
      %swap3A = arith.constant 0 : index
      %swap3A_30 = arith.constant 0 : index
      %swap3A_31 = vector.load %arg2[%swap3A, %swap3A_30] : memref<80x128xf32, #tpu.memory_space<vmem>>, vector<80x128xf32>
      tpu.vector_store %arg2[%swap3A, %swap3A_30], %add3A {strides = array<i32>} : memref<80x128xf32, #tpu.memory_space<vmem>>, vector<80x128xf32>,
    } else {
    }
    return
  }
  func.func @transform_0(%arg0: i32) -> (i32, i32, i32) {
    %c0_i32 = arith.constant 0 : i32
    %c0_i32_0 = arith.constant 0 : i32
    %c0_i32_1 = arith.constant 0 : i32
    return %arg0, %c0_i32, %c0_i32_0 : i32, i32, i32
  }
  func.func @transform_1(%arg0: i32) -> (i32, i32) {
    %c0_i32 = arith.constant 0 : i32
    %c0_i32_0 = arith.constant 0 : i32
    %c0_i32_1 = arith.constant 0 : i32
    return %c0_i32, %c0_i32_0 : i32, i32
  }
}

module attributes {stable_mosaic.version = 14 : i64} {
  func.func @_prep_body(%arg0: i32, %arg1: memref<512x128xf32, #tpu.memory_space<vmem>>, %arg2: memref<128x128xf32, #tpu.memory_space<vmem>>, %arg3: memref<1x4x128xf32, #tpu.memory_space<vmem>>, %arg4: memref<512x128xf32, #tpu.memory_space<vmem>>) attributes {dimension_semantics = [#tpu.dimension_semantics<arbitrary>], iteration_bounds = array<i64: 20>, scalar_prefetch = 0 : i64, scratch_operands = 0 : i64, tpu.core_type = #tpu.core_type<tc>, window_params = [{transform_indices = @transform_0, window_bounds = array<i64: 512, 128>}, {pipeline_mode = #tpu.pipeline_mode<synchronous>, transform_indices = @transform_1, window_bounds = array<i64: 128, 128>}, {transform_indices = @transform_2, window_bounds = array<i64: 1, 4, 128>}, {transform_indices = @transform_3, window_bounds = array<i64: 512, 128>}]} {
    %get3A = arith.constant 0 : index
    %get3A_0 = arith.constant 0 : index
    %get3A_1 = arith.constant 0 : index
    %get3A_2 = vector.load %arg3[%get3A, %get3A_0, %get3A_1] : memref<1x4x128xf32, #tpu.memory_space<vmem>>, vector<1x4x128xf32>
    %get3A_3 = vector.shape_cast %get3A_2 : vector<1x4x128xf32> to vector<4x128xf32>
    %reshape3A = vector.shape_cast %get3A_3 : vector<4x128xf32> to vector<512xf32>
    %add3A = arith.constant 1.000000e+00 : f32
    %add3A_4 = vector.broadcast %add3A : f32 to vector<512xf32>
    %add3A_5 = arith.addf %reshape3A, %add3A_4 : vector<512xf32>
    %rsqrt3A = math.rsqrt %add3A_5 : vector<512xf32>
    %get3A_6 = arith.constant 0 : index
    %get3A_7 = arith.constant 0 : index
    %get3A_8 = vector.load %arg1[%get3A_6, %get3A_7] : memref<512x128xf32, #tpu.memory_space<vmem>>, vector<512x128xf32>
    %get3A_9 = arith.constant 0 : index
    %get3A_10 = arith.constant 0 : index
    %get3A_11 = vector.load %arg2[%get3A_9, %get3A_10] : memref<128x128xf32, #tpu.memory_space<vmem>>, vector<128x128xf32>
    %dot_general3A = arith.constant dense<0.000000e+00> : vector<512x128xf32>
    %dot_general3A_12 = tpu.matmul %get3A_8, %get3A_11, %dot_general3A {dimension_numbers = #tpu.dot_dimension_numbers<[1], [0], [0], [1], [0, 0, 1, 1], [], []>, transpose_lhs_hint = false} : vector<512x128xf32>, vector<128x128xf32>, vector<512x128xf32> -> vector<512x128xf32>
    %broadcast_in_dim3A = vector.shape_cast %rsqrt3A : vector<512xf32> to vector<512x1xf32>
    %mul3A = vector.broadcast %broadcast_in_dim3A : vector<512x1xf32> to vector<512x128xf32>
    %mul3A_13 = arith.mulf %dot_general3A_12, %mul3A : vector<512x128xf32>
    %swap3A = arith.constant 0 : index
    %swap3A_14 = arith.constant 0 : index
    %swap3A_15 = vector.load %arg4[%swap3A, %swap3A_14] : memref<512x128xf32, #tpu.memory_space<vmem>>, vector<512x128xf32>
    tpu.vector_store %arg4[%swap3A, %swap3A_14], %mul3A_13 {strides = array<i32>} : memref<512x128xf32, #tpu.memory_space<vmem>>, vector<512x128xf32>,
    return
  }
  func.func @transform_0(%arg0: i32) -> (i32, i32) {
    %c0_i32 = arith.constant 0 : i32
    %c0_i32_0 = arith.constant 0 : i32
    return %arg0, %c0_i32 : i32, i32
  }
  func.func @transform_1(%arg0: i32) -> (i32, i32) {
    %c0_i32 = arith.constant 0 : i32
    %c0_i32_0 = arith.constant 0 : i32
    %c0_i32_1 = arith.constant 0 : i32
    return %c0_i32, %c0_i32_0 : i32, i32
  }
  func.func @transform_2(%arg0: i32) -> (i32, i32, i32) {
    %c0_i32 = arith.constant 0 : i32
    %c0_i32_0 = arith.constant 0 : i32
    %c0_i32_1 = arith.constant 0 : i32
    return %arg0, %c0_i32, %c0_i32_0 : i32, i32, i32
  }
  func.func @transform_3(%arg0: i32) -> (i32, i32) {
    %c0_i32 = arith.constant 0 : i32
    %c0_i32_0 = arith.constant 0 : i32
    return %arg0, %c0_i32 : i32, i32
  }
}

module attributes {stable_mosaic.version = 14 : i64} {
  func.func @_final_body(%arg0: i32, %arg1: memref<512x128xf32, #tpu.memory_space<vmem>>, %arg2: memref<512x128xf32, #tpu.memory_space<vmem>>, %arg3: memref<512x128xf32, #tpu.memory_space<vmem>>, %arg4: memref<1x4x128xf32, #tpu.memory_space<vmem>>, %arg5: memref<1x128xf32, #tpu.memory_space<vmem>>, %arg6: memref<512x128xf32, #tpu.memory_space<vmem>>) attributes {dimension_semantics = [#tpu.dimension_semantics<arbitrary>], iteration_bounds = array<i64: 20>, scalar_prefetch = 0 : i64, scratch_operands = 0 : i64, tpu.core_type = #tpu.core_type<tc>, window_params = [{transform_indices = @transform_0, window_bounds = array<i64: 512, 128>}, {transform_indices = @transform_1, window_bounds = array<i64: 512, 128>}, {transform_indices = @transform_2, window_bounds = array<i64: 512, 128>}, {transform_indices = @transform_3, window_bounds = array<i64: 1, 4, 128>}, {pipeline_mode = #tpu.pipeline_mode<synchronous>, transform_indices = @transform_4, window_bounds = array<i64: 1, 128>}, {transform_indices = @transform_5, window_bounds = array<i64: 512, 128>}]} {
    %get3A = arith.constant 0 : index
    %get3A_0 = arith.constant 0 : index
    %get3A_1 = arith.constant 0 : index
    %get3A_2 = vector.load %arg4[%get3A, %get3A_0, %get3A_1] : memref<1x4x128xf32, #tpu.memory_space<vmem>>, vector<1x4x128xf32>
    %get3A_3 = vector.shape_cast %get3A_2 : vector<1x4x128xf32> to vector<4x128xf32>
    %reshape3A = vector.shape_cast %get3A_3 : vector<4x128xf32> to vector<512xf32>
    %add3A = arith.constant 1.000000e+00 : f32
    %add3A_4 = vector.broadcast %add3A : f32 to vector<512xf32>
    %add3A_5 = arith.addf %reshape3A, %add3A_4 : vector<512xf32>
    %rsqrt3A = math.rsqrt %add3A_5 : vector<512xf32>
    %get3A_6 = arith.constant 0 : index
    %get3A_7 = arith.constant 0 : index
    %get3A_8 = vector.load %arg2[%get3A_6, %get3A_7] : memref<512x128xf32, #tpu.memory_space<vmem>>, vector<512x128xf32>
    %get3A_9 = arith.constant 0 : index
    %get3A_10 = arith.constant 0 : index
    %get3A_11 = vector.load %arg3[%get3A_9, %get3A_10] : memref<512x128xf32, #tpu.memory_space<vmem>>, vector<512x128xf32>
    %add3A_12 = arith.addf %get3A_8, %get3A_11 : vector<512x128xf32>
    %get3A_13 = arith.constant 0 : index
    %get3A_14 = arith.constant 0 : index
    %get3A_15 = vector.load %arg1[%get3A_13, %get3A_14] : memref<512x128xf32, #tpu.memory_space<vmem>>, vector<512x128xf32>
    %add3A_16 = arith.addf %add3A_12, %get3A_15 : vector<512x128xf32>
    %broadcast_in_dim3A = vector.shape_cast %rsqrt3A : vector<512xf32> to vector<512x1xf32>
    %mul3A = vector.broadcast %broadcast_in_dim3A : vector<512x1xf32> to vector<512x128xf32>
    %mul3A_17 = arith.mulf %add3A_16, %mul3A : vector<512x128xf32>
    %get3A_18 = arith.constant 0 : index
    %get3A_19 = arith.constant 0 : index
    %get3A_20 = vector.load %arg5[%get3A_18, %get3A_19] : memref<1x128xf32, #tpu.memory_space<vmem>>, vector<1x128xf32>
    %add3A_21 = vector.broadcast %get3A_20 : vector<1x128xf32> to vector<512x128xf32>
    %add3A_22 = arith.addf %mul3A_17, %add3A_21 : vector<512x128xf32>
    %max3A = arith.constant 0.000000e+00 : f32
    %max3A_23 = vector.broadcast %max3A : f32 to vector<512x128xf32>
    %max3A_24 = arith.maximumf %add3A_22, %max3A_23 : vector<512x128xf32>
    %swap3A = arith.constant 0 : index
    %swap3A_25 = arith.constant 0 : index
    %swap3A_26 = vector.load %arg6[%swap3A, %swap3A_25] : memref<512x128xf32, #tpu.memory_space<vmem>>, vector<512x128xf32>
    tpu.vector_store %arg6[%swap3A, %swap3A_25], %max3A_24 {strides = array<i32>} : memref<512x128xf32, #tpu.memory_space<vmem>>, vector<512x128xf32>,
    return
  }
  func.func @transform_0(%arg0: i32) -> (i32, i32) {
    %c0_i32 = arith.constant 0 : i32
    %c0_i32_0 = arith.constant 0 : i32
    return %arg0, %c0_i32 : i32, i32
  }
  func.func @transform_1(%arg0: i32) -> (i32, i32) {
    %c0_i32 = arith.constant 0 : i32
    %c0_i32_0 = arith.constant 0 : i32
    return %arg0, %c0_i32 : i32, i32
  }
  func.func @transform_2(%arg0: i32) -> (i32, i32) {
    %c0_i32 = arith.constant 0 : i32
    %c0_i32_0 = arith.constant 0 : i32
    return %arg0, %c0_i32 : i32, i32
  }
  func.func @transform_3(%arg0: i32) -> (i32, i32, i32) {
    %c0_i32 = arith.constant 0 : i32
    %c0_i32_0 = arith.constant 0 : i32
    %c0_i32_1 = arith.constant 0 : i32
    return %arg0, %c0_i32, %c0_i32_0 : i32, i32, i32
  }
  func.func @transform_4(%arg0: i32) -> (i32, i32) {
    %c0_i32 = arith.constant 0 : i32
    %c0_i32_0 = arith.constant 0 : i32
    %c0_i32_1 = arith.constant 0 : i32
    return %c0_i32, %c0_i32_0 : i32, i32
  }
  func.func @transform_5(%arg0: i32) -> (i32, i32) {
    %c0_i32 = arith.constant 0 : i32
    %c0_i32_0 = arith.constant 0 : i32
    return %arg0, %c0_i32 : i32, i32
  }
}

</mosaic_0001>

<sc_bundles>
// kernel: kernel.6.cloned.1.call-start
scs
__scs_entry_jumppad:
0x0: {  	(pc) =	sbr.rel $0x88, $3  }
0x1: {  	(tag) =	ssettag $0x0;
	lr =	simm.s32 $0x1  }
0x2: {  	[smem:$0x3F9D] =	sst lr;
	_ =	strace $0xD0000000  }
0x3: {  	_ = 	snop  }
0x4: {  	_ = 	snop  }
0x5: {  	_ = 	snop  }
0x6: {  	_ = 	snop  }
0x7: {  	_ = 	snop  }
__scs_overlays_trampoline_lowered:
0x8: {  	[smem:$0x3FAC] =	sst s0  }
0x9: {  	[smem:$0x3FAD] =	sst s1  }
0xa: {  	[smem:$0x3FAE] =	sst s2  }
0xb: {  	[smem:$0x3FAF] =	sst s3  }
0xc: {  	[smem:$0x3FB0] =	sst s4  }
0xd: {  	[smem:$0x3FB1] =	sst s5  }
0xe: {  	[smem:$0x3FB2] =	sst s6  }
0xf: {  	[smem:$0x3FB3] =	sst s7  }
0x10: {  	[smem:$0x3FB4] =	sst s8  }
0x11: {  	[smem:$0x3FB5] =	sst s9;
	s0 =	simm.s32 @!p0 $0x0  }
0x12: {  	s1 =	sld [smem:$0x3F9B];
	s0 =	simm.s32 @p0 $0x1  }
0x13: {  	[smem:$0x3FB6] =	sst s0;
	s0 =	simm.s32 @!p1 $0x0  }
0x14: {  	s2 =	sld [smem:$0x3F9A];
	s0 =	simm.s32 @p1 $0x1  }
0x15: {  	[smem:$0x3FB7] =	sst s0;
	s0 =	simm.s32 @!p2 $0x0  }
0x16: {  	s3 =	sld [smem:$0x3FDB];
	s0 =	simm.s32 @p2 $0x1  }
0x17: {  	s4 =	simm.s32 $0x1BF5;
	[smem:$0x3FB9] =	sst s0  }
0x18: {  	s0 =	sld [smem:$0x3F9C];
	_ =	swait.ge [sflag:s4], $0x0  }
0x19: {  	s7 =	sld [smem:$0x3F9D]  }
0x1a: {  	s8 =	sadd.s32 $0xFFFFE003, lr  }
0x1b: {  	s9 =	sadd.s32 $0xFFFFFEF7, lr;
	s5 =	simm.s32 $0xFFFFFFFF;
	p2 =	slt.u32 s8, $0xFFFFF086  }
0x1c: {  	p1 =	slt.u32 s9, $0xF7A;
	s5 =	simm.s32 @!p2 $0x0  }
0x1d: {  	s5 =	simm.s32 @p1 $0x1;
	p0 =	seq.s32 s7, s2  }
0x1e: {  	s7 =	smul.u32 @!p0 $0xF7A, s2;
	p2 =	seq.s32 @!p0 s5, $0x0  }
0x1f: {  	s9 =	smul.u32 $0xF7A, s1;
	s8 =	simm.s32 @!p0 $0x1BF5;
	p2 =	por !p2, p0  }
0x20: {  	[sflag:s8] =	ssyncset.s32 @!p0 $0xFFFFF086;
	s6 =	sadd.s32 @!p0 s3, s7;
	s7 =	simm.s32 @!p0 $0x108  }
0x21: {  	s3 =	sadd.s32 s3, s9;
	s6 =	sadd.s32 @!p0 $0x88, s6;
	s7 =	simm.s32 @p2 $0x1082  }
0x22: {  	[simem:s7], [sflag:s8] =	dma.local @!p0 [hbm:s6], $0xF7A  }
0x23: {  	s9 =	sor.u32 $0xD0000000, s2;
	s6 =	simm.s32 $0x108;
	_ =	swait.ge @!p0 [sflag:s8], $0x0  }
0x24: {  	s3 =	sadd.s32 $0x88, s3;
	s6 =	simm.s32 @!p1 $0x1082;
	[sflag:s4] =	ssyncset.s32 $0xFFFFF086  }
0x25: {  	[simem:s6], [sflag:s4] =	dma.local [hbm:s3], $0xF7A  }
0x26: {  	[smem:$0x3F9D] =	sst s1;
	(tag) =	ssettag s2;
	_ =	strace s9  }
0x27: {  	s1 =	sld [smem:$0x3FAD]  }
0x28: {  	s2 =	sld [smem:$0x3FAE]  }
0x29: {  	s4 =	sld [smem:$0x3FB0]  }
0x2a: {  	p0 =	seq.s32 s5, $0x0;
	s5 =	sld [smem:$0x3FB1]  }
0x2b: {  	s6 =	sld [smem:$0x3FB2]  }
0x2c: {  	s7 =	sld [smem:$0x3FB3]  }
0x2d: {  	s3 =	simm.s32 $0x108;
	s8 =	sld [smem:$0x3FB4]  }
0x2e: {  	s3 =	simm.s32 @!p0 $0x1082;
	s9 =	sld [smem:$0x3FB5]  }
0x2f: {  	lr =	sadd.s32 s0, s3;
	s0 =	sld [smem:$0x3FAC]  }
0x30: {  	s3 =	sld [smem:$0x3FAF]  }
0x31: {  	[smem:$0x3FB8] =	sst s10  }
0x32: {  	s10 =	sld [smem:$0x3FB6];
	_ =	sdelay $0x3  }
0x33: {  	p0 =	seq.s32 s10, $0x1;
	s10 =	sld [smem:$0x3FB8];
	_ =	sdelay $0x3  }
0x34: {  	[smem:$0x3FB8] =	sst s10  }
0x35: {  	s10 =	sld [smem:$0x3FB7];
	_ =	sdelay $0x3  }
0x36: {  	p1 =	seq.s32 s10, $0x1;
	s10 =	sld [smem:$0x3FB8];
	_ =	sdelay $0x3  }
0x37: {  	[smem:$0x3FB8] =	sst s10  }
0x38: {  	s10 =	sld [smem:$0x3FB9]  }
0x39: {  	_ = 	snop;
	(pc) =	sbr.ind lr, $3  }
0x3a: {  	_ = 	snop  }
0x3b: {  	_ = 	snop  }
0x3c: {  	p2 =	seq.s32 s10, $0x1;
	s10 =	sld [smem:$0x3FB8]  }
0x3d: {  	_ =	shalt  }
0x3e: {  	_ =	shalt  }
0x3f: {  	_ =	shalt  }
0x40: {  	_ =	shalt  }
0x41: {  	_ =	shalt  }
0x42: {  	_ =	shalt  }
0x43: {  	_ =	shalt  }
0x44: {  	_ =	shalt  }
0x45: {  	_ =	shalt  }
0x46: {  	_ =	shalt  }
0x47: {  	_ =	shalt  }
0x48: {  	_ =	shalt  }
0x49: {  	_ =	shalt  }
0x4a: {  	_ =	shalt  }
0x4b: {  	_ =	shalt  }
0x4c: {  	_ =	shalt  }
0x4d: {  	_ =	shalt  }
0x4e: {  	_ =	shalt  }
0x4f: {  	_ =	shalt  }
0x50: {  	_ =	shalt  }
0x51: {  	_ =	shalt  }
0x52: {  	_ =	shalt  }
0x53: {  	_ =	shalt  }
0x54: {  	_ =	shalt  }
0x55: {  	_ =	shalt  }
0x56: {  	_ =	shalt  }
0x57: {  	_ =	shalt  }
0x58: {  	_ =	shalt  }
0x59: {  	_ =	shalt  }
0x5a: {  	_ =	shalt  }
0x5b: {  	_ =	shalt  }
0x5c: {  	_ =	shalt  }
0x5d: {  	_ =	shalt  }
0x5e: {  	_ =	shalt  }
0x5f: {  	_ =	shalt  }
0x60: {  	_ =	shalt  }
0x61: {  	_ =	shalt  }
0x62: {  	_ =	shalt  }
0x63: {  	_ =	shalt  }
0x64: {  	_ =	shalt  }
0x65: {  	_ =	shalt  }
0x66: {  	_ =	shalt  }
0x67: {  	_ =	shalt  }
0x68: {  	_ =	shalt  }
0x69: {  	_ =	shalt  }
0x6a: {  	_ =	shalt  }
0x6b: {  	_ =	shalt  }
0x6c: {  	_ =	shalt  }
0x6d: {  	_ =	shalt  }
0x6e: {  	_ =	shalt  }
0x6f: {  	_ =	shalt  }
0x70: {  	_ =	shalt  }
0x71: {  	_ =	shalt  }
0x72: {  	_ =	shalt  }
0x73: {  	_ =	shalt  }
0x74: {  	_ =	shalt  }
0x75: {  	_ =	shalt  }
0x76: {  	_ =	shalt  }
0x77: {  	_ =	shalt  }
0x78: {  	_ =	shalt  }
0x79: {  	_ =	shalt  }
0x7a: {  	_ =	shalt  }
0x7b: {  	_ =	shalt  }
0x7c: {  	_ =	shalt  }
0x7d: {  	_ =	shalt  }
0x7e: {  	_ =	shalt  }
0x7f: {  	_ =	shalt  }
0x80: {  	_ =	shalt  }
0x81: {  	_ =	shalt  }
0x82: {  	_ =	shalt  }
0x83: {  	_ =	shalt  }
0x84: {  	_ =	shalt  }
0x85: {  	_ =	shalt  }
0x86: {  	_ =	shalt  }
0x87: {  	_ =	shalt  }
.Lfunc_end0:
.L_simem_size_0:
called_computation_lowered:
.L_overlay_start_0:
0x88: {  	s2 =	sld [smem:$0x3FD9]  }
0x89: {  	s3 =	sld [smem:$0x3FFE];
	_ =	sdelay $0x1  }
0x8a: {  	s1 =	srdreg.scid  }
0x8b: {  	s0 =	sand.u32 $0x1, s1  }
0x8c: {  	s14 =	sshll.u32 s0, $0xA;
	s2 =	sadd.s32 s3, s2  }
0x8d: {  	s2 =	sadd.s32 s2, s14  }
0x8e: {  	[smem:$0x3FC4] =	sst s2  }
0x8f: {  	_ = 	snop  }
0x90: {  	s2 =	sld [smem:$0x3FD0];
	_ =	sdelay $0x2  }
0x91: {  	s15 =	simm.s32 $0xA;
	s4 =	simm.s32 $0x10  }
0x92: {  	[smem:s4], [sflag:s15] =	dma.local [hbm:s2], $0x1  }
0x93: {  	_ =	swait.eq [sflag:s15], $0x1  }
0x94: {  	[sflag:s15] =	ssyncset.done $0x0  }
0x95: {  	s16 =	sld [smem:$0x10];
	[sflag:s15] =	ssyncadd.s32 $0xFFFFFFFF  }
0x96: {  	s17 =	sld [smem:$0x11];
	(tm) =	ssettm $0x1  }
0x97: {  	s18 =	sld [smem:$0x3FFB];
	_ =	sdelay $0x3  }
0x98: {  	_ =	strace s18  }
0x99: {  	s4 =	sld [smem:$0x3FFC];
	_ =	sdelay $0x3  }
0x9a: {  	_ =	strace s4  }
0x9b: {  	s4 =	sld [smem:$0x3FFD];
	_ =	sdelay $0x3  }
0x9c: {  	_ =	strace s4  }
0x9d: {  	_ =	strace $0x8FFFFFFF  }
0x9e: {  	s19 =	sld [smem:$0x3FDB];
	_ =	sdelay $0x1  }
0x9f: {  	s5 =	simm.s32 $_scs_section_size  }
0xa0: {  	s6 =	simm.s32 $_size__tile_overlayer_lowered;
	s7 =	simm.s32 $_tile_overlayer_lowered  }
0xa1: {  	s22 =	simm.s32 $0x1BFF;
	s21 =	sshll.u32 s7, $0x1;
	s4 =	sadd.s32 s5, s19  }
0xa2: {  	s8 =	simm.s32 $0x0;
	s20 =	sshll.u32 s6, $0x1;
	s6 =	sadd.s32 s21, s4  }
0xa3: {  	[timem:s8], [sflag:s22] =	dma.local [hbm:s6], s20  }
0xa4: {  	_ =	swait.ge [sflag:s22], s20  }
0xa5: {  	s5 =	ssub.s32 $0x0, s20;
	[sflag:s22] =	ssyncset.done $0x0  }
0xa6: {  	[sflag:s22] =	ssyncadd.s32 s5;
	_ =	sdelay $0x1  }
0xa7: {  	s23 =	simm.s32 $0x1B8B  }
0xa8: {  	_ =	swait.ge [sflag:s23], $0x1  }
0xa9: {  	[sflag:s23] =	ssyncset.done $0x0  }
0xaa: {  	s25 =	simm.s32 $0x1B8E;
	s24 =	sld [smem:$0x3FFE];
	[sflag:s23] =	ssyncadd.s32 $0xFFFFFFFF  }
0xab: {  	s26 =	simm.s32 $execute0_lowered;
	[smem:$0x3FD2] =	sst s25  }
0xac: {  	s6 =	sshll.u32 s26, $0x1;
	_ =	strace $0x80000046;
	[dreg:$0x1] =	wrdreg $0xFFFFFFFF  }
0xad: {  	s28 =	simm.s32 $_size_execute0_lowered;
	s4 =	sadd.s32 s4, s6;
	[dreg:$0x0] =	wrdreg $0x0  }
0xae: {  	s6 =	sshll.u32 s28, $0x1;
	[dreg:$0x2] =	wrdreg s4  }
0xaf: {  	[dreg:$0x3] =	wrdreg s6  }
0xb0: {  	[dreg:$0x4] =	wrdreg $0xC0  }
0xb1: {  	_ =	task [dreg:s8], $0x5FFFF  }
0xb2: {  	[dreg:$0x1] =	wrdreg $0xFFFFFFFF  }
0xb3: {  	[dreg:$0x0] =	wrdreg $0x60  }
0xb4: {  	[dreg:$0x2] =	wrdreg s17  }
0xb5: {  	[dreg:$0x3] =	wrdreg s16  }
0xb6: {  	[dreg:$0x4] =	wrdreg s24  }
0xb7: {  	[dreg:$0x5] =	wrdreg $0x0  }
0xb8: {  	[dreg:$0x6] =	wrdreg $0x9  }
0xb9: {  	_ =	task.clear_ibuf [dreg:s8], $0x7FFFF;
	_ =	strace $0x90000046  }
0xba: {  	s29 =	simm.s32 $0x9;
	_ =	strace $0x80000048  }
0xbb: {  	_ =	swait.ge [sflag:s29], $0x1  }
0xbc: {  	[sflag:s29] =	ssyncadd.s32 $0xFFFFFFFF  }
0xbd: {  	_ =	strace $0x90000048  }
0xbe: {  	_ =	sfence  }
0xbf: {  	s30 =	sld [smem:$0x0];
	_ =	sdelay $0x2  }
0xc0: {  	s31 =	sshll.u32 s1, $0xD;
	s1 =	sshrl.u32 s1, $0x2  }
0xc1: {  	s3 =	sand.u32 $0x4000, s31;
	s1 =	sadd.s32 s1, s30  }
0xc2: {  	s0 =	sor.u32 s3, s0;
	s1 =	sshll.u32 s1, $0x11  }
0xc3: {  	s0 =	sor.u32 s1, s0  }
0xc4: {  	s0 =	sadd.s32 $0x8F2B, s0  }
0xc5: {  	[sflag:s0] =	ssyncadd.remote.s32 $0x1  }
0xc6: {  	_ =	sfence.sel $0xFFFF  }
0xc7: {  	[dreg:$0x0] =	wrdreg $0xFFFFFFFF;
	(pc) =	sbr.abs _section_cstart, $3  }
0xc8: {  	[dreg:$0x1] =	wrdreg $0xFFFFFFFF  }
0xc9: {  	_ =	task.clear_ibuf [dreg:s8], $0x2FFFF;
	_ =	strace $0x9FFFFFFF  }
0xca: {  	(tm) =	ssettm $0x7FFFFFFF  }
0xcb: {  	_ =	shalt  }
tec
execute0_lowered:
.L_overlay_start_1:
0x0: {  	(tag) =	ssettag $0x1  }
0x1: {  	s7 =	rddreg [dreg:$0x0]  }
0x2: {  	s8 =	rddreg [dreg:$0x1]  }
0x3: {  	s5 =	rddreg [dreg:$0x2]  }
0x4: {  	s1 =	rddreg [dreg:$0x3]  }
0x5: {  	s0 =	rddreg [dreg:$0x4]  }
0x6: {  	s3 =	simm.s32 $0x0;
	s4 =	srdreg.scid;
	s2 =	stileid.u32  }
0x7: {  	s15 =	simm.s32 $0x80;
	s16 =	simm.s32 $0x19000;
	s17 =	simm.s32 $0x1  }
0x8: {  	s18 =	simm.s32 $0x0;
	[smem:$0x7FF] =	sst s3;
	s6 =	smul.u32 $0x2800, s2  }
0x9: {  	s9 =	sand.u32 $0x1, s4;
	s4 =	sadd.s32 $0x1200, s5;
	s12 =	smul.u32 $0x50000, s2  }
0xa: {  	s29 =	sshll.u32 s2, $0x6;
	_ =	strace $0x80000047;
	s10 =	ssub.s32 $0x2, s9  }
0xb: {  	s13 =	sshll.u32 s9, $0x4;
	p0 =	seq.s32 s9, $0x1;
	s11 =	sshrl.u32 s10, $0x1  }
0xc: {  	s14 =	sadd.s32 s6, s5;
	s26 =	sor.u32 s2, s13;
	s28 =	sshrl.u32 s12, $0x2  }
0xd: {  	s6 =	sor.u32 $0x1C02, s29;
	s12 =	simm.s32 $0x2;
	s13 =	simm.s32 $0x14000  }
0xe: {  	s10 =	ssub.s32 s10, s11;
	s30 =	smul.u32 $0x500, s26;
	s31 =	sadd.s32 s28, s1  }
0xf: {  	s5 =	sadd.s32 $0x29200, s14;
	s11 =	simm.s32 $0x79200;
	s9 =	smax.u32 s10, $0x1  }
0x10: {  	s11 =	simm.s32 @!p0 $0x51200;
	s7 =	sadd.s32 s7, s30;
	s8 =	sadd.s32 s8, s30  }
0x11: {  	s10 =	sadd.s32 s11, s14;
	s11 =	sshrl.u32 s31, $0x3;
	s14 =	simm.s32 $0x16800  }
.LBB2_1:
0x12: {  	[spmem:s11], [sflag:s6] =	dma.local [hbm:s5], $0x2800  }
0x13: {  	_ =	swait.ge [sflag:s12], $0x2800  }
0x14: {  	[sflag:s12] =	ssyncset.done $0x0  }
0x15: {  	[sflag:s12] =	ssyncadd.s32 $0xFFFFD800  }
0x16: {  	[tilespmem:s13], [sflag:$0x2] =	stream.linear.gather [hbm4b:s7+s3], $0x2780, $0x38;
	[tilespmem:$0x1D000] =	vst v63  }
0x17: {  	_ =	swait.ge [sflag:s12], $0x2780  }
0x18: {  	[sflag:s12] =	ssyncset.done $0x0  }
0x19: {  	[sflag:s12] =	ssyncadd.s32 $0xFFFFD880  }
0x1a: {  	[tilespmem:s14], [sflag:$0x2] =	stream.linear.gather [hbm4b:s8+s3], $0x2780, $0x38;
	[tilespmem:$0x1D000] =	vst v63  }
0x1b: {  	_ =	swait.ge [sflag:s12], $0x2780  }
0x1c: {  	[sflag:s12] =	ssyncset.done $0x0  }
0x1d: {  	[sflag:s12] =	ssyncadd.s32 $0xFFFFD880  }
0x1e: {  	s19 =	simm.s32 $0x14000;
	[bflag:$0x0] =	sbarrier.arrive $0xFFFF  }
0x1f: {  	[tilespmem:s16], [sflag:$0x1] =	stream.indirect.gather [hbm4b:s4+s15], $0x80, s19, s15, $0xb8;
	[tilespmem:$0x1D000] =	vst v63  }
0x20: {  	_ =	swait.ge [sflag:s17], $0x4000  }
0x21: {  	[sflag:s17] =	ssyncset.done $0x0  }
0x22: {  	s31 =	simm.s32 $0x16800;
	[sflag:s17] =	ssyncadd.s32 $0xFFFFC000  }
0x23: {  	[spmem:s1] =	stream.indirect.scatter.add.f32 [tilespmem:s16], [sflag:$0x2], $0x80, s31, s15, $0xb8;
	[tilespmem:$0x1D000] =	vst v63  }
0x24: {  	_ =	swait.ge [sflag:s12], $0x4000  }
0x25: {  	s20 =	simm.s32 $0x400;
	s19 =	simm.s32 $0x80;
	[sflag:s12] =	ssyncset.done $0x0  }
.LBB2_2:
0x26: {  	s21 =	sadd.s32 $0x14000, s19  }
0x27: {  	[sflag:s12] =	ssyncadd.s32 $0xFFFFC000;
	s22 =	smov.u32 s20;
	s23 =	sadd.s32 $0x200, s20  }
0x28: {  	[tilespmem:s16], [sflag:$0x1] =	stream.indirect.gather [hbm4b:s4+s15], $0x80, s21, s15, $0xb8;
	[tilespmem:$0x1D000] =	vst v63  }
0x29: {  	p0 =	sne.s32 s20, $0x9C00;
	_ =	swait.ge [sflag:s17], $0x4000  }
.Ltmp0:
0x2a: {  	[sflag:s17] =	ssyncset.done $0x0;
	(pc) =	sbr.rel @p0 .LBB2_2-.Ltmp0, $4  }
0x2b: {  	s19 =	sadd.s32 $0x16800, s19;
	[sflag:s17] =	ssyncadd.s32 $0xFFFFC000  }
0x2c: {  	[spmem:s1] =	stream.indirect.scatter.add.f32 [tilespmem:s16], [sflag:$0x2], $0x80, s19, s15, $0xb8;
	[tilespmem:$0x1D000] =	vst v63  }
0x2d: {  	_ =	swait.ge [sflag:s12], $0x4000  }
0x2e: {  	s20 =	smov.u32 s23;
	s19 =	sshra.s32 s22, $0x2;
	[sflag:s12] =	ssyncset.done $0x0  }
0x2f: {  	s20 =	sadd.s32 $0x14000, s19;
	[sflag:s12] =	ssyncadd.s32 $0xFFFFC000  }
0x30: {  	[tilespmem:s16], [sflag:$0x1] =	stream.indirect.gather [hbm4b:s4+s15], $0x80, s20, s15, $0xb8;
	[tilespmem:$0x1D000] =	vst v63  }
0x31: {  	_ =	swait.ge [sflag:s17], $0x4000  }
0x32: {  	[sflag:s17] =	ssyncset.done $0x0  }
0x33: {  	s31 =	sadd.s32 $0x16800, s19;
	[sflag:s17] =	ssyncadd.s32 $0xFFFFC000  }
0x34: {  	[spmem:s1] =	stream.indirect.scatter.add.f32 [tilespmem:s16], [sflag:$0x2], $0x80, s31, s15, $0xb8;
	[tilespmem:$0x1D000] =	vst v63  }
0x35: {  	_ =	swait.ge [sflag:s12], $0x4000  }
0x36: {  	s18 =	sadd.s32 $0x1, s18;
	[sflag:s12] =	ssyncset.done $0x0  }
0x37: {  	p0 =	sne.s32 s18, s9;
	[sflag:s12] =	ssyncadd.s32 $0xFFFFC000  }
.Ltmp1:
0x38: {  	[bflag:$0x0] =	sbarrier.arrive $0xFFFF;
	(pc) =	sbr.rel @p0 .LBB2_1-.Ltmp1, $4  }
0x39: {  	[hbm:s10], [sflag:s6] =	dma.local [spmem:s11], $0x2800  }
0x3a: {  	_ =	swait.ge [sflag:s12], $0x2800  }
0x3b: {  	[sflag:s12] =	ssyncset.done $0x0  }
0x3c: {  	[sflag:s12] =	ssyncadd.s32 $0xFFFFD800  }
0x3d: {  	_ =	sfence.sel $0x180000  }
0x3e: {  	[bflag:$0x0] =	sbarrier.arrive $0xFFFF  }
0x3f: {  	p0 =	sne.s32 s2, $0x0;
	_ =	strace $0x90000047  }
0x40: {  	s0 =	sadd.s32 @!p0 $0x100000, s0;
	[bflag:$0x2] =	sbarrier.arrive $0xFFFF  }
0x41: {  	[sflag:s0] =	ssyncadd.tile.s32 @!p0 $0x1;
	_ =	shalt  }
.Lfunc_end2:
_tile_overlayer_lowered:
.L_overlay_start_2:
0x42: {  	(tag) =	ssettag $0x2  }
0x43: {  	s0 =	rddreg [dreg:$0x0];
	s2 =	stileid.u32  }
0x44: {  	s1 =	rddreg [dreg:$0x1];
	p0 =	sne.s32 s2, $0x0  }
0x45: {  	s3 =	rddreg [dreg:$0x2];
	[bflag:$0x3] =	sbarrier.arrive $0xFFFF;
	s2 =	simm.s32 @!p0 $0x1C02  }
0x46: {  	[timem:s3], [sflag:s2] =	dma.local @!p0 [hbm:s0], s1  }
0x47: {  	s0 =	simm.s32 @!p0 $0x2  }
0x48: {  	_ =	swait.ge @!p0 [sflag:s0], s1  }
0x49: {  	s1 =	ssub.s32 @!p0 $0x0, s1;
	[sflag:s0] =	ssyncset.done @!p0 $0x0  }
0x4a: {  	[sflag:s0] =	ssyncadd.s32 @!p0 s1  }
0x4b: {  	[bflag:$0x3] =	sbarrier.arrive $0xFFFF  }
0x4c: {  	_ =	shalt  }

</sc_bundles>
